<compile_context>
chip_gen: v7x
topology: tpu7x:2x2x1
jax: 0.10.2.dev20260603
libtpu: 0.0.44.dev20260713+nightly
codegen_flags: <defaults>
</compile_context>

<pallas_src>
import functools

import jax
import jax.numpy as jnp
from jax import lax
from jax.experimental import pallas as pl
from jax.experimental.pallas import tpu as pltpu
from jax.experimental.pallas import tpu_sc as plsc

NUM_FIELDS = 26
VOCAB = 100000
EMB_DIM = 32
BATCH = 16384

_INFO = plsc.get_sparse_core_info()
_NC, _NS, _L = _INFO.num_cores, _INFO.num_subcores, _INFO.num_lanes
_NW = _NC * _NS
_HALF = BATCH // 2


def _sc_embedding_t(xt, tabt):
    mesh = plsc.VectorSubcoreMesh(core_axis_name="c", subcore_axis_name="s")

    @functools.partial(
        pl.kernel,
        mesh=mesh,
        out_type=jax.ShapeDtypeStruct((NUM_FIELDS * EMB_DIM, BATCH),
                                      jnp.float32),
        scratch_types=[
            pltpu.VMEM((VOCAB,), jnp.float32),
            pltpu.VMEM((_HALF,), jnp.int32),
            pltpu.VMEM((2, _HALF), jnp.float32),
            pltpu.SemaphoreType.DMA,
            pltpu.SemaphoreType.DMA,
        ],
        compiler_params=pltpu.CompilerParams(use_tc_tiling_on_sc=False,
                                             needs_layout_passes=False),
    )
    def k(xt_hbm, tab_hbm, out_hbm, vocab_v, idx_v, outr_v, gsem, wsem):
        d = lax.axis_index("s") * _NC + lax.axis_index("c")

        def drain_write(slot):
            pltpu.make_async_copy(xt_hbm.at[0, pl.ds(0, _HALF)],
                                  outr_v.at[slot], wsem).wait()

        def fbody(f, carry):
            row = f * EMB_DIM + d
            pltpu.sync_copy(tab_hbm.at[row], vocab_v)
            for h in range(2):
                pltpu.sync_copy(xt_hbm.at[f, pl.ds(h * _HALF, _HALF)], idx_v)

                @pl.when(f > 0)
                def _():
                    drain_write(h)

                def gbody(j, c):
                    sl = pl.ds(j * _L, _L)
                    iv = idx_v[sl]
                    outr_v[h, sl] = plsc.load_gather(vocab_v, [iv])
                    return c

                lax.fori_loop(0, _HALF // _L, gbody, 0)
                pltpu.async_copy(outr_v.at[h],
                                 out_hbm.at[row, pl.ds(h * _HALF, _HALF)],
                                 wsem)
            return carry

        lax.fori_loop(0, NUM_FIELDS, fbody, 0)
        drain_write(0)
        drain_write(1)

    return k(xt, tabt)


def kernel(x_cat, tables):
    xt = x_cat.T.astype(jnp.int32)
    tabt = tables.transpose(0, 2, 1).reshape(
        NUM_FIELDS * EMB_DIM, VOCAB)
    out_t = _sc_embedding_t(xt, tabt)
    return out_t.T.reshape(BATCH, NUM_FIELDS * EMB_DIM)

# --- scband reference (transcript-rebuilt; emitter-appended) ---
"""Pipeline reference for scband-embedding-layers-19507741458516 (READ-ONLY COPY).

The authoritative reference and input builder live on the scoring server;
editing this copy changes nothing except your own understanding.
"""

import jax, jax.numpy as jnp
import numpy as np

NUM_FIELDS = 26
VOCAB = 100000
EMB_DIM = 32
BATCH = 16384


def setup_inputs(seed: int = 0) -> dict:
    key = jax.random.key(seed)
    k_idx, k_tab = jax.random.split(key)
    x_cat = jax.random.randint(k_idx, (BATCH, NUM_FIELDS), 0, VOCAB, dtype=jnp.int64 if jax.config.jax_enable_x64 else jnp.int32)
    tables = jax.random.normal(k_tab, (NUM_FIELDS, VOCAB, EMB_DIM), dtype=jnp.float32)
    return {"x_cat": x_cat, "tables": tables}


def reference(x_cat, tables):
    # Faithful translation: per-field embedding lookup, then concatenate along dim 1
    out = [jnp.take(tables[i], x_cat[:, i], axis=0) for i in range(NUM_FIELDS)]
    aux = out[0]
    for i in range(1, len(out)):
        aux = jnp.concatenate((aux, out[i]), axis=1)
    return aux

if __name__ == "__main__":
    import jax
    _d = setup_inputs()
    print(jax.jit(kernel)(*tuple(_d.values())))

</pallas_src>

<mosaic_0001>
#map = affine_map<(d0, d1) -> (0, 0)>
module attributes {stable_mosaic.version = 14 : i64} {
  func.func @k(%arg0: i32, %arg1: i32, %arg2: memref<26x16384xi32, #tpu.memory_space<hbm>>, %arg3: memref<832x100000xf32, #tpu.memory_space<hbm>>, %arg4: memref<832x16384xf32, #tpu.memory_space<hbm>>, %arg5: memref<100000xf32, #tpu.memory_space<vmem>>, %arg6: memref<8192xi32, #tpu.memory_space<vmem>>, %arg7: memref<2x8192xf32, #tpu.memory_space<vmem>>, %arg8: memref<!tpu.dma_semaphore, #tpu.memory_space<semaphore_mem>>, %arg9: memref<!tpu.dma_semaphore, #tpu.memory_space<semaphore_mem>>) attributes {dimension_semantics = [#tpu.dimension_semantics<core_parallel>, #tpu.dimension_semantics<subcore_parallel>], iteration_bounds = array<i64: 2, 16>, scalar_prefetch = 0 : i64, scratch_operands = 5 : i64, tpu.core_type = #tpu.core_type<sc_vector_subcore>, window_params = [{transform_indices = #map}, {transform_indices = #map}, {transform_indices = #map}]} {
    %mul3A = arith.constant 2 : i32
    %mul3A_0 = arith.muli %arg1, %mul3A : i32
    %add3A = arith.addi %mul3A_0, %arg0 : i32
    %scan3A = arith.constant 0 : i32
    %scan3A_1 = arith.constant 0 : i32
    %scan3A_2 = arith.constant 26 : i32
    %scan3A_3 = arith.addi %scan3A_1, %scan3A_2 : i32
    %scan3A_4 = arith.constant 1 : i32
    scf.for %scan3A_33 = %scan3A_1 to %scan3A_3 step %scan3A_4  : i32 {
      %mul3A_34 = arith.constant 32 : i32
      %mul3A_35 = arith.muli %scan3A_33, %mul3A_34 : i32
      %add3A_36 = arith.addi %mul3A_35, %add3A : i32
      "tpu.region"() ({
        %run_scoped3A = tpu.sem_alloc : memref<!tpu.dma_semaphore, #tpu.memory_space<semaphore_mem>>
        %dma_start3A_81 = arith.constant 0 : i32
        %dma_start3A_82 = tpu.memref_slice %arg3[%add3A_36, %dma_start3A_81] : memref<832x100000xf32, #tpu.memory_space<hbm>> -> memref<1x100000xf32, #tpu.memory_space<hbm>>
        %dma_start3A_83 = tpu.memref_squeeze %dma_start3A_82 : memref<1x100000xf32, #tpu.memory_space<hbm>> -> memref<100000xf32, #tpu.memory_space<hbm>>
        %dma_start3A_84 = arith.constant 0 : i32
        %dma_start3A_85 = tpu.memref_slice %arg3[%add3A_36, %dma_start3A_84] : memref<832x100000xf32, #tpu.memory_space<hbm>> -> memref<1x100000xf32, #tpu.memory_space<hbm>>
        %dma_start3A_86 = tpu.memref_squeeze %dma_start3A_85 : memref<1x100000xf32, #tpu.memory_space<hbm>> -> memref<100000xf32, #tpu.memory_space<hbm>>
        tpu.enqueue_dma source(%dma_start3A_86 : memref<100000xf32, #tpu.memory_space<hbm>>) target(%arg5 : memref<100000xf32, #tpu.memory_space<vmem>>) target_semaphore(%run_scoped3A : memref<!tpu.dma_semaphore, #tpu.memory_space<semaphore_mem>>)
        %dma_wait3A_87 = arith.constant 0 : i32
        %dma_wait3A_88 = tpu.memref_slice %arg3[%add3A_36, %dma_wait3A_87] : memref<832x100000xf32, #tpu.memory_space<hbm>> -> memref<1x100000xf32, #tpu.memory_space<hbm>>
        %dma_wait3A_89 = tpu.memref_squeeze %dma_wait3A_88 : memref<1x100000xf32, #tpu.memory_space<hbm>> -> memref<100000xf32, #tpu.memory_space<hbm>>
        %dma_wait3A_90 = arith.constant 0 : i32
        %dma_wait3A_91 = tpu.memref_slice %arg3[%add3A_36, %dma_wait3A_90] : memref<832x100000xf32, #tpu.memory_space<hbm>> -> memref<1x100000xf32, #tpu.memory_space<hbm>>
        %dma_wait3A_92 = tpu.memref_squeeze %dma_wait3A_91 : memref<1x100000xf32, #tpu.memory_space<hbm>> -> memref<100000xf32, #tpu.memory_space<hbm>>
        tpu.wait_dma2 semaphore(%run_scoped3A : memref<!tpu.dma_semaphore, #tpu.memory_space<semaphore_mem>>) src(%dma_wait3A_92 : memref<100000xf32, #tpu.memory_space<hbm>>) dst(%arg5 : memref<100000xf32, #tpu.memory_space<vmem>>)
        tpu.yield
      }) : () -> ()
      "tpu.region"() ({
        %run_scoped3A = tpu.sem_alloc : memref<!tpu.dma_semaphore, #tpu.memory_space<semaphore_mem>>
        %dma_start3A_81 = arith.constant 0 : i32
        %dma_start3A_82 = tpu.memref_slice %arg2[%scan3A_33, %dma_start3A_81] : memref<26x16384xi32, #tpu.memory_space<hbm>> -> memref<1x8192xi32, #tpu.memory_space<hbm>>
        %dma_start3A_83 = tpu.memref_squeeze %dma_start3A_82 : memref<1x8192xi32, #tpu.memory_space<hbm>> -> memref<8192xi32, #tpu.memory_space<hbm>>
        %dma_start3A_84 = arith.constant 0 : i32
        %dma_start3A_85 = tpu.memref_slice %arg2[%scan3A_33, %dma_start3A_84] : memref<26x16384xi32, #tpu.memory_space<hbm>> -> memref<1x8192xi32, #tpu.memory_space<hbm>>
        %dma_start3A_86 = tpu.memref_squeeze %dma_start3A_85 : memref<1x8192xi32, #tpu.memory_space<hbm>> -> memref<8192xi32, #tpu.memory_space<hbm>>
        tpu.enqueue_dma source(%dma_start3A_86 : memref<8192xi32, #tpu.memory_space<hbm>>) target(%arg6 : memref<8192xi32, #tpu.memory_space<vmem>>) target_semaphore(%run_scoped3A : memref<!tpu.dma_semaphore, #tpu.memory_space<semaphore_mem>>)
        %dma_wait3A_87 = arith.constant 0 : i32
        %dma_wait3A_88 = tpu.memref_slice %arg2[%scan3A_33, %dma_wait3A_87] : memref<26x16384xi32, #tpu.memory_space<hbm>> -> memref<1x8192xi32, #tpu.memory_space<hbm>>
        %dma_wait3A_89 = tpu.memref_squeeze %dma_wait3A_88 : memref<1x8192xi32, #tpu.memory_space<hbm>> -> memref<8192xi32, #tpu.memory_space<hbm>>
        %dma_wait3A_90 = arith.constant 0 : i32
        %dma_wait3A_91 = tpu.memref_slice %arg2[%scan3A_33, %dma_wait3A_90] : memref<26x16384xi32, #tpu.memory_space<hbm>> -> memref<1x8192xi32, #tpu.memory_space<hbm>>
        %dma_wait3A_92 = tpu.memref_squeeze %dma_wait3A_91 : memref<1x8192xi32, #tpu.memory_space<hbm>> -> memref<8192xi32, #tpu.memory_space<hbm>>
        tpu.wait_dma2 semaphore(%run_scoped3A : memref<!tpu.dma_semaphore, #tpu.memory_space<semaphore_mem>>) src(%dma_wait3A_92 : memref<8192xi32, #tpu.memory_space<hbm>>) dst(%arg6 : memref<8192xi32, #tpu.memory_space<vmem>>)
        tpu.yield
      }) : () -> ()
      %gt3A = arith.constant 0 : i32
      %gt3A_37 = arith.cmpi sgt, %scan3A_33, %gt3A : i32
      %convert_element_type3A = arith.extui %gt3A_37 : i1 to i32
      %cond3A = arith.constant 0 : i32
      %cond3A_38 = arith.cmpi ne, %convert_element_type3A, %cond3A : i32
      scf.if %cond3A_38 {
        %dma_wait3A_81 = arith.constant 0 : i32
        %dma_wait3A_82 = arith.constant 0 : i32
        %dma_wait3A_83 = arith.constant 0 : i32
        %dma_wait3A_84 = tpu.memref_slice %arg7[%dma_wait3A_82, %dma_wait3A_83] : memref<2x8192xf32, #tpu.memory_space<vmem>> -> memref<1x8192xf32, #tpu.memory_space<vmem>>
        %dma_wait3A_85 = tpu.memref_squeeze %dma_wait3A_84 : memref<1x8192xf32, #tpu.memory_space<vmem>> -> memref<8192xf32, #tpu.memory_space<vmem>>
        %dma_wait3A_86 = arith.constant 0 : i32
        %dma_wait3A_87 = tpu.memref_slice %arg2[%dma_wait3A_81, %dma_wait3A_86] : memref<26x16384xi32, #tpu.memory_space<hbm>> -> memref<1x8192xi32, #tpu.memory_space<hbm>>
        %dma_wait3A_88 = tpu.memref_squeeze %dma_wait3A_87 : memref<1x8192xi32, #tpu.memory_space<hbm>> -> memref<8192xi32, #tpu.memory_space<hbm>>
        %dma_wait3A_89 = arith.constant 0 : i32
        %dma_wait3A_90 = tpu.memref_slice %arg7[%dma_wait3A_82, %dma_wait3A_89] : memref<2x8192xf32, #tpu.memory_space<vmem>> -> memref<1x8192xf32, #tpu.memory_space<vmem>>
        %dma_wait3A_91 = tpu.memref_squeeze %dma_wait3A_90 : memref<1x8192xf32, #tpu.memory_space<vmem>> -> memref<8192xf32, #tpu.memory_space<vmem>>
        %dma_wait3A_92 = arith.constant 0 : i32
        %dma_wait3A_93 = tpu.memref_slice %arg2[%dma_wait3A_81, %dma_wait3A_92] : memref<26x16384xi32, #tpu.memory_space<hbm>> -> memref<1x8192xi32, #tpu.memory_space<hbm>>
        %dma_wait3A_94 = tpu.memref_squeeze %dma_wait3A_93 : memref<1x8192xi32, #tpu.memory_space<hbm>> -> memref<8192xi32, #tpu.memory_space<hbm>>
        tpu.wait_dma2 semaphore(%arg9 : memref<!tpu.dma_semaphore, #tpu.memory_space<semaphore_mem>>) src(%dma_wait3A_94 : memref<8192xi32, #tpu.memory_space<hbm>>) dst(%dma_wait3A_91 : memref<8192xf32, #tpu.memory_space<vmem>>)
      } else {
      }
      %scan3A_39 = arith.constant 0 : i32
      %scan3A_40 = arith.constant 0 : i32
      %scan3A_41 = arith.constant 512 : i32
      %scan3A_42 = arith.addi %scan3A_40, %scan3A_41 : i32
      %scan3A_43 = arith.constant 1 : i32
      scf.for %scan3A_81 = %scan3A_40 to %scan3A_42 step %scan3A_43  : i32 {
        %mul3A_82 = arith.constant 16 : i32
        %mul3A_83 = arith.muli %scan3A_81, %mul3A_82 : i32
        %get3A = arith.index_cast %mul3A_83 : i32 to index
        %get3A_84 = tpu.vector_load %arg6[%get3A] {strides = array<i32>} : memref<8192xi32, #tpu.memory_space<vmem>>, vector<16xi32>,
        %gather3A = tpu.vector_load_idx %arg5[%get3A_84] : memref<100000xf32, #tpu.memory_space<vmem>>[vector<16xi32>], vector<16xf32>,
        %swap3A = arith.constant 0 : i32
        %swap3A_85 = arith.index_cast %swap3A : i32 to index
        %swap3A_86 = arith.index_cast %mul3A_83 : i32 to index
        %swap3A_87 = tpu.vector_load %arg7[%swap3A_85, %swap3A_86] {strides = array<i32>} : memref<2x8192xf32, #tpu.memory_space<vmem>>, vector<16xf32>,
        tpu.vector_store %arg7[%swap3A_85, %swap3A_86], %gather3A {strides = array<i32>} : memref<2x8192xf32, #tpu.memory_space<vmem>>, vector<16xf32>,
      }
      %scan3A_44 = arith.constant 512 : i32
      %dma_start3A = arith.constant 0 : i32
      %dma_start3A_45 = arith.constant 0 : i32
      %dma_start3A_46 = tpu.memref_slice %arg7[%dma_start3A, %dma_start3A_45] : memref<2x8192xf32, #tpu.memory_space<vmem>> -> memref<1x8192xf32, #tpu.memory_space<vmem>>
      %dma_start3A_47 = tpu.memref_squeeze %dma_start3A_46 : memref<1x8192xf32, #tpu.memory_space<vmem>> -> memref<8192xf32, #tpu.memory_space<vmem>>
      %dma_start3A_48 = arith.constant 0 : i32
      %dma_start3A_49 = tpu.memref_slice %arg4[%add3A_36, %dma_start3A_48] : memref<832x16384xf32, #tpu.memory_space<hbm>> -> memref<1x8192xf32, #tpu.memory_space<hbm>>
      %dma_start3A_50 = tpu.memref_squeeze %dma_start3A_49 : memref<1x8192xf32, #tpu.memory_space<hbm>> -> memref<8192xf32, #tpu.memory_space<hbm>>
      %dma_start3A_51 = arith.constant 0 : i32
      %dma_start3A_52 = tpu.memref_slice %arg4[%add3A_36, %dma_start3A_51] : memref<832x16384xf32, #tpu.memory_space<hbm>> -> memref<1x8192xf32, #tpu.memory_space<hbm>>
      %dma_start3A_53 = tpu.memref_squeeze %dma_start3A_52 : memref<1x8192xf32, #tpu.memory_space<hbm>> -> memref<8192xf32, #tpu.memory_space<hbm>>
      %dma_start3A_54 = arith.constant 0 : i32
      %dma_start3A_55 = tpu.memref_slice %arg7[%dma_start3A, %dma_start3A_54] : memref<2x8192xf32, #tpu.memory_space<vmem>> -> memref<1x8192xf32, #tpu.memory_space<vmem>>
      %dma_start3A_56 = tpu.memref_squeeze %dma_start3A_55 : memref<1x8192xf32, #tpu.memory_space<vmem>> -> memref<8192xf32, #tpu.memory_space<vmem>>
      tpu.enqueue_dma source(%dma_start3A_56 : memref<8192xf32, #tpu.memory_space<vmem>>) target(%dma_start3A_53 : memref<8192xf32, #tpu.memory_space<hbm>>) target_semaphore(%arg9 : memref<!tpu.dma_semaphore, #tpu.memory_space<semaphore_mem>>)
      "tpu.region"() ({
        %run_scoped3A = tpu.sem_alloc : memref<!tpu.dma_semaphore, #tpu.memory_space<semaphore_mem>>
        %dma_start3A_81 = arith.constant 8192 : i32
        %dma_start3A_82 = tpu.memref_slice %arg2[%scan3A_33, %dma_start3A_81] : memref<26x16384xi32, #tpu.memory_space<hbm>> -> memref<1x8192xi32, #tpu.memory_space<hbm>>
        %dma_start3A_83 = tpu.memref_squeeze %dma_start3A_82 : memref<1x8192xi32, #tpu.memory_space<hbm>> -> memref<8192xi32, #tpu.memory_space<hbm>>
        %dma_start3A_84 = arith.constant 8192 : i32
        %dma_start3A_85 = tpu.memref_slice %arg2[%scan3A_33, %dma_start3A_84] : memref<26x16384xi32, #tpu.memory_space<hbm>> -> memref<1x8192xi32, #tpu.memory_space<hbm>>
        %dma_start3A_86 = tpu.memref_squeeze %dma_start3A_85 : memref<1x8192xi32, #tpu.memory_space<hbm>> -> memref<8192xi32, #tpu.memory_space<hbm>>
        tpu.enqueue_dma source(%dma_start3A_86 : memref<8192xi32, #tpu.memory_space<hbm>>) target(%arg6 : memref<8192xi32, #tpu.memory_space<vmem>>) target_semaphore(%run_scoped3A : memref<!tpu.dma_semaphore, #tpu.memory_space<semaphore_mem>>)
        %dma_wait3A_87 = arith.constant 8192 : i32
        %dma_wait3A_88 = tpu.memref_slice %arg2[%scan3A_33, %dma_wait3A_87] : memref<26x16384xi32, #tpu.memory_space<hbm>> -> memref<1x8192xi32, #tpu.memory_space<hbm>>
        %dma_wait3A_89 = tpu.memref_squeeze %dma_wait3A_88 : memref<1x8192xi32, #tpu.memory_space<hbm>> -> memref<8192xi32, #tpu.memory_space<hbm>>
        %dma_wait3A_90 = arith.constant 8192 : i32
        %dma_wait3A_91 = tpu.memref_slice %arg2[%scan3A_33, %dma_wait3A_90] : memref<26x16384xi32, #tpu.memory_space<hbm>> -> memref<1x8192xi32, #tpu.memory_space<hbm>>
        %dma_wait3A_92 = tpu.memref_squeeze %dma_wait3A_91 : memref<1x8192xi32, #tpu.memory_space<hbm>> -> memref<8192xi32, #tpu.memory_space<hbm>>
        tpu.wait_dma2 semaphore(%run_scoped3A : memref<!tpu.dma_semaphore, #tpu.memory_space<semaphore_mem>>) src(%dma_wait3A_92 : memref<8192xi32, #tpu.memory_space<hbm>>) dst(%arg6 : memref<8192xi32, #tpu.memory_space<vmem>>)
        tpu.yield
      }) : () -> ()
      %gt3A_57 = arith.constant 0 : i32
      %gt3A_58 = arith.cmpi sgt, %scan3A_33, %gt3A_57 : i32
      %convert_element_type3A_59 = arith.extui %gt3A_58 : i1 to i32
      %cond3A_60 = arith.constant 0 : i32
      %cond3A_61 = arith.cmpi ne, %convert_element_type3A_59, %cond3A_60 : i32
      scf.if %cond3A_61 {
        %dma_wait3A_81 = arith.constant 0 : i32
        %dma_wait3A_82 = arith.constant 1 : i32
        %dma_wait3A_83 = arith.constant 0 : i32
        %dma_wait3A_84 = tpu.memref_slice %arg7[%dma_wait3A_82, %dma_wait3A_83] : memref<2x8192xf32, #tpu.memory_space<vmem>> -> memref<1x8192xf32, #tpu.memory_space<vmem>>
        %dma_wait3A_85 = tpu.memref_squeeze %dma_wait3A_84 : memref<1x8192xf32, #tpu.memory_space<vmem>> -> memref<8192xf32, #tpu.memory_space<vmem>>
        %dma_wait3A_86 = arith.constant 0 : i32
        %dma_wait3A_87 = tpu.memref_slice %arg2[%dma_wait3A_81, %dma_wait3A_86] : memref<26x16384xi32, #tpu.memory_space<hbm>> -> memref<1x8192xi32, #tpu.memory_space<hbm>>
        %dma_wait3A_88 = tpu.memref_squeeze %dma_wait3A_87 : memref<1x8192xi32, #tpu.memory_space<hbm>> -> memref<8192xi32, #tpu.memory_space<hbm>>
        %dma_wait3A_89 = arith.constant 0 : i32
        %dma_wait3A_90 = tpu.memref_slice %arg7[%dma_wait3A_82, %dma_wait3A_89] : memref<2x8192xf32, #tpu.memory_space<vmem>> -> memref<1x8192xf32, #tpu.memory_space<vmem>>
        %dma_wait3A_91 = tpu.memref_squeeze %dma_wait3A_90 : memref<1x8192xf32, #tpu.memory_space<vmem>> -> memref<8192xf32, #tpu.memory_space<vmem>>
        %dma_wait3A_92 = arith.constant 0 : i32
        %dma_wait3A_93 = tpu.memref_slice %arg2[%dma_wait3A_81, %dma_wait3A_92] : memref<26x16384xi32, #tpu.memory_space<hbm>> -> memref<1x8192xi32, #tpu.memory_space<hbm>>
        %dma_wait3A_94 = tpu.memref_squeeze %dma_wait3A_93 : memref<1x8192xi32, #tpu.memory_space<hbm>> -> memref<8192xi32, #tpu.memory_space<hbm>>
        tpu.wait_dma2 semaphore(%arg9 : memref<!tpu.dma_semaphore, #tpu.memory_space<semaphore_mem>>) src(%dma_wait3A_94 : memref<8192xi32, #tpu.memory_space<hbm>>) dst(%dma_wait3A_91 : memref<8192xf32, #tpu.memory_space<vmem>>)
      } else {
      }
      %scan3A_62 = arith.constant 0 : i32
      %scan3A_63 = arith.constant 0 : i32
      %scan3A_64 = arith.constant 512 : i32
      %scan3A_65 = arith.addi %scan3A_63, %scan3A_64 : i32
      %scan3A_66 = arith.constant 1 : i32
      scf.for %scan3A_81 = %scan3A_63 to %scan3A_65 step %scan3A_66  : i32 {
        %mul3A_82 = arith.constant 16 : i32
        %mul3A_83 = arith.muli %scan3A_81, %mul3A_82 : i32
        %get3A = arith.index_cast %mul3A_83 : i32 to index
        %get3A_84 = tpu.vector_load %arg6[%get3A] {strides = array<i32>} : memref<8192xi32, #tpu.memory_space<vmem>>, vector<16xi32>,
        %gather3A = tpu.vector_load_idx %arg5[%get3A_84] : memref<100000xf32, #tpu.memory_space<vmem>>[vector<16xi32>], vector<16xf32>,
        %swap3A = arith.constant 1 : i32
        %swap3A_85 = arith.index_cast %swap3A : i32 to index
        %swap3A_86 = arith.index_cast %mul3A_83 : i32 to index
        %swap3A_87 = tpu.vector_load %arg7[%swap3A_85, %swap3A_86] {strides = array<i32>} : memref<2x8192xf32, #tpu.memory_space<vmem>>, vector<16xf32>,
        tpu.vector_store %arg7[%swap3A_85, %swap3A_86], %gather3A {strides = array<i32>} : memref<2x8192xf32, #tpu.memory_space<vmem>>, vector<16xf32>,
      }
      %scan3A_67 = arith.constant 512 : i32
      %dma_start3A_68 = arith.constant 1 : i32
      %dma_start3A_69 = arith.constant 0 : i32
      %dma_start3A_70 = tpu.memref_slice %arg7[%dma_start3A_68, %dma_start3A_69] : memref<2x8192xf32, #tpu.memory_space<vmem>> -> memref<1x8192xf32, #tpu.memory_space<vmem>>
      %dma_start3A_71 = tpu.memref_squeeze %dma_start3A_70 : memref<1x8192xf32, #tpu.memory_space<vmem>> -> memref<8192xf32, #tpu.memory_space<vmem>>
      %dma_start3A_72 = arith.constant 8192 : i32
      %dma_start3A_73 = tpu.memref_slice %arg4[%add3A_36, %dma_start3A_72] : memref<832x16384xf32, #tpu.memory_space<hbm>> -> memref<1x8192xf32, #tpu.memory_space<hbm>>
      %dma_start3A_74 = tpu.memref_squeeze %dma_start3A_73 : memref<1x8192xf32, #tpu.memory_space<hbm>> -> memref<8192xf32, #tpu.memory_space<hbm>>
      %dma_start3A_75 = arith.constant 8192 : i32
      %dma_start3A_76 = tpu.memref_slice %arg4[%add3A_36, %dma_start3A_75] : memref<832x16384xf32, #tpu.memory_space<hbm>> -> memref<1x8192xf32, #tpu.memory_space<hbm>>
      %dma_start3A_77 = tpu.memref_squeeze %dma_start3A_76 : memref<1x8192xf32, #tpu.memory_space<hbm>> -> memref<8192xf32, #tpu.memory_space<hbm>>
      %dma_start3A_78 = arith.constant 0 : i32
      %dma_start3A_79 = tpu.memref_slice %arg7[%dma_start3A_68, %dma_start3A_78] : memref<2x8192xf32, #tpu.memory_space<vmem>> -> memref<1x8192xf32, #tpu.memory_space<vmem>>
      %dma_start3A_80 = tpu.memref_squeeze %dma_start3A_79 : memref<1x8192xf32, #tpu.memory_space<vmem>> -> memref<8192xf32, #tpu.memory_space<vmem>>
      tpu.enqueue_dma source(%dma_start3A_80 : memref<8192xf32, #tpu.memory_space<vmem>>) target(%dma_start3A_77 : memref<8192xf32, #tpu.memory_space<hbm>>) target_semaphore(%arg9 : memref<!tpu.dma_semaphore, #tpu.memory_space<semaphore_mem>>)
    }
    %scan3A_5 = arith.constant 26 : i32
    %dma_wait3A = arith.constant 0 : i32
    %dma_wait3A_6 = arith.constant 0 : i32
    %dma_wait3A_7 = arith.constant 0 : i32
    %dma_wait3A_8 = tpu.memref_slice %arg7[%dma_wait3A_6, %dma_wait3A_7] : memref<2x8192xf32, #tpu.memory_space<vmem>> -> memref<1x8192xf32, #tpu.memory_space<vmem>>
    %dma_wait3A_9 = tpu.memref_squeeze %dma_wait3A_8 : memref<1x8192xf32, #tpu.memory_space<vmem>> -> memref<8192xf32, #tpu.memory_space<vmem>>
    %dma_wait3A_10 = arith.constant 0 : i32
    %dma_wait3A_11 = tpu.memref_slice %arg2[%dma_wait3A, %dma_wait3A_10] : memref<26x16384xi32, #tpu.memory_space<hbm>> -> memref<1x8192xi32, #tpu.memory_space<hbm>>
    %dma_wait3A_12 = tpu.memref_squeeze %dma_wait3A_11 : memref<1x8192xi32, #tpu.memory_space<hbm>> -> memref<8192xi32, #tpu.memory_space<hbm>>
    %dma_wait3A_13 = arith.constant 0 : i32
    %dma_wait3A_14 = tpu.memref_slice %arg7[%dma_wait3A_6, %dma_wait3A_13] : memref<2x8192xf32, #tpu.memory_space<vmem>> -> memref<1x8192xf32, #tpu.memory_space<vmem>>
    %dma_wait3A_15 = tpu.memref_squeeze %dma_wait3A_14 : memref<1x8192xf32, #tpu.memory_space<vmem>> -> memref<8192xf32, #tpu.memory_space<vmem>>
    %dma_wait3A_16 = arith.constant 0 : i32
    %dma_wait3A_17 = tpu.memref_slice %arg2[%dma_wait3A, %dma_wait3A_16] : memref<26x16384xi32, #tpu.memory_space<hbm>> -> memref<1x8192xi32, #tpu.memory_space<hbm>>
    %dma_wait3A_18 = tpu.memref_squeeze %dma_wait3A_17 : memref<1x8192xi32, #tpu.memory_space<hbm>> -> memref<8192xi32, #tpu.memory_space<hbm>>
    tpu.wait_dma2 semaphore(%arg9 : memref<!tpu.dma_semaphore, #tpu.memory_space<semaphore_mem>>) src(%dma_wait3A_18 : memref<8192xi32, #tpu.memory_space<hbm>>) dst(%dma_wait3A_15 : memref<8192xf32, #tpu.memory_space<vmem>>)
    %dma_wait3A_19 = arith.constant 0 : i32
    %dma_wait3A_20 = arith.constant 1 : i32
    %dma_wait3A_21 = arith.constant 0 : i32
    %dma_wait3A_22 = tpu.memref_slice %arg7[%dma_wait3A_20, %dma_wait3A_21] : memref<2x8192xf32, #tpu.memory_space<vmem>> -> memref<1x8192xf32, #tpu.memory_space<vmem>>
    %dma_wait3A_23 = tpu.memref_squeeze %dma_wait3A_22 : memref<1x8192xf32, #tpu.memory_space<vmem>> -> memref<8192xf32, #tpu.memory_space<vmem>>
    %dma_wait3A_24 = arith.constant 0 : i32
    %dma_wait3A_25 = tpu.memref_slice %arg2[%dma_wait3A_19, %dma_wait3A_24] : memref<26x16384xi32, #tpu.memory_space<hbm>> -> memref<1x8192xi32, #tpu.memory_space<hbm>>
    %dma_wait3A_26 = tpu.memref_squeeze %dma_wait3A_25 : memref<1x8192xi32, #tpu.memory_space<hbm>> -> memref<8192xi32, #tpu.memory_space<hbm>>
    %dma_wait3A_27 = arith.constant 0 : i32
    %dma_wait3A_28 = tpu.memref_slice %arg7[%dma_wait3A_20, %dma_wait3A_27] : memref<2x8192xf32, #tpu.memory_space<vmem>> -> memref<1x8192xf32, #tpu.memory_space<vmem>>
    %dma_wait3A_29 = tpu.memref_squeeze %dma_wait3A_28 : memref<1x8192xf32, #tpu.memory_space<vmem>> -> memref<8192xf32, #tpu.memory_space<vmem>>
    %dma_wait3A_30 = arith.constant 0 : i32
    %dma_wait3A_31 = tpu.memref_slice %arg2[%dma_wait3A_19, %dma_wait3A_30] : memref<26x16384xi32, #tpu.memory_space<hbm>> -> memref<1x8192xi32, #tpu.memory_space<hbm>>
    %dma_wait3A_32 = tpu.memref_squeeze %dma_wait3A_31 : memref<1x8192xi32, #tpu.memory_space<hbm>> -> memref<8192xi32, #tpu.memory_space<hbm>>
    tpu.wait_dma2 semaphore(%arg9 : memref<!tpu.dma_semaphore, #tpu.memory_space<semaphore_mem>>) src(%dma_wait3A_32 : memref<8192xi32, #tpu.memory_space<hbm>>) dst(%dma_wait3A_29 : memref<8192xf32, #tpu.memory_space<vmem>>)
    return
  }
}

</mosaic_0001>

<sc_bundles>
// kernel: kernel.3.cloned.1.call-start
scs
__scs_entry_jumppad:
0x0: {  	(pc) =	sbr.rel $0x88, $3  }
0x1: {  	(tag) =	ssettag $0x0;
	lr =	simm.s32 $0x1  }
0x2: {  	[smem:$0x3F9F] =	sst lr;
	_ =	strace $0xD0000000  }
0x3: {  	_ = 	snop  }
0x4: {  	_ = 	snop  }
0x5: {  	_ = 	snop  }
0x6: {  	_ = 	snop  }
0x7: {  	_ = 	snop  }
__scs_overlays_trampoline_lowered:
0x8: {  	[smem:$0x3FAE] =	sst s0  }
0x9: {  	[smem:$0x3FAF] =	sst s1  }
0xa: {  	[smem:$0x3FB0] =	sst s2  }
0xb: {  	[smem:$0x3FB1] =	sst s3  }
0xc: {  	[smem:$0x3FB2] =	sst s4  }
0xd: {  	[smem:$0x3FB3] =	sst s5  }
0xe: {  	[smem:$0x3FB4] =	sst s6  }
0xf: {  	[smem:$0x3FB5] =	sst s7  }
0x10: {  	[smem:$0x3FB6] =	sst s8  }
0x11: {  	[smem:$0x3FB7] =	sst s9;
	s0 =	simm.s32 @!p0 $0x0  }
0x12: {  	s1 =	sld [smem:$0x3F9D];
	s0 =	simm.s32 @p0 $0x1  }
0x13: {  	[smem:$0x3FB8] =	sst s0;
	s0 =	simm.s32 @!p1 $0x0  }
0x14: {  	s2 =	sld [smem:$0x3F9C];
	s0 =	simm.s32 @p1 $0x1  }
0x15: {  	[smem:$0x3FB9] =	sst s0;
	s0 =	simm.s32 @!p2 $0x0  }
0x16: {  	s3 =	sld [smem:$0x3FDB];
	s0 =	simm.s32 @p2 $0x1  }
0x17: {  	s4 =	simm.s32 $0x1BF5;
	[smem:$0x3FBB] =	sst s0  }
0x18: {  	s0 =	sld [smem:$0x3F9E];
	_ =	swait.ge [sflag:s4], $0x0  }
0x19: {  	s7 =	sld [smem:$0x3F9F]  }
0x1a: {  	s8 =	sadd.s32 $0xFFFFE003, lr  }
0x1b: {  	s9 =	sadd.s32 $0xFFFFFEF7, lr;
	s5 =	simm.s32 $0xFFFFFFFF;
	p2 =	slt.u32 s8, $0xFFFFF086  }
0x1c: {  	p1 =	slt.u32 s9, $0xF7A;
	s5 =	simm.s32 @!p2 $0x0  }
0x1d: {  	s5 =	simm.s32 @p1 $0x1;
	p0 =	seq.s32 s7, s2  }
0x1e: {  	s7 =	smul.u32 @!p0 $0xF7A, s2;
	p2 =	seq.s32 @!p0 s5, $0x0  }
0x1f: {  	s9 =	smul.u32 $0xF7A, s1;
	s8 =	simm.s32 @!p0 $0x1BF5;
	p2 =	por !p2, p0  }
0x20: {  	[sflag:s8] =	ssyncset.s32 @!p0 $0xFFFFF086;
	s6 =	sadd.s32 @!p0 s3, s7;
	s7 =	simm.s32 @!p0 $0x108  }
0x21: {  	s3 =	sadd.s32 s3, s9;
	s6 =	sadd.s32 @!p0 $0x88, s6;
	s7 =	simm.s32 @p2 $0x1082  }
0x22: {  	[simem:s7], [sflag:s8] =	dma.local @!p0 [hbm:s6], $0xF7A  }
0x23: {  	s9 =	sor.u32 $0xD0000000, s2;
	s6 =	simm.s32 $0x108;
	_ =	swait.ge @!p0 [sflag:s8], $0x0  }
0x24: {  	s3 =	sadd.s32 $0x88, s3;
	s6 =	simm.s32 @!p1 $0x1082;
	[sflag:s4] =	ssyncset.s32 $0xFFFFF086  }
0x25: {  	[simem:s6], [sflag:s4] =	dma.local [hbm:s3], $0xF7A  }
0x26: {  	[smem:$0x3F9F] =	sst s1;
	(tag) =	ssettag s2;
	_ =	strace s9  }
0x27: {  	s1 =	sld [smem:$0x3FAF]  }
0x28: {  	s2 =	sld [smem:$0x3FB0]  }
0x29: {  	s4 =	sld [smem:$0x3FB2]  }
0x2a: {  	p0 =	seq.s32 s5, $0x0;
	s5 =	sld [smem:$0x3FB3]  }
0x2b: {  	s6 =	sld [smem:$0x3FB4]  }
0x2c: {  	s7 =	sld [smem:$0x3FB5]  }
0x2d: {  	s3 =	simm.s32 $0x108;
	s8 =	sld [smem:$0x3FB6]  }
0x2e: {  	s3 =	simm.s32 @!p0 $0x1082;
	s9 =	sld [smem:$0x3FB7]  }
0x2f: {  	lr =	sadd.s32 s0, s3;
	s0 =	sld [smem:$0x3FAE]  }
0x30: {  	s3 =	sld [smem:$0x3FB1]  }
0x31: {  	[smem:$0x3FBA] =	sst s10  }
0x32: {  	s10 =	sld [smem:$0x3FB8];
	_ =	sdelay $0x3  }
0x33: {  	p0 =	seq.s32 s10, $0x1;
	s10 =	sld [smem:$0x3FBA];
	_ =	sdelay $0x3  }
0x34: {  	[smem:$0x3FBA] =	sst s10  }
0x35: {  	s10 =	sld [smem:$0x3FB9];
	_ =	sdelay $0x3  }
0x36: {  	p1 =	seq.s32 s10, $0x1;
	s10 =	sld [smem:$0x3FBA];
	_ =	sdelay $0x3  }
0x37: {  	[smem:$0x3FBA] =	sst s10  }
0x38: {  	s10 =	sld [smem:$0x3FBB]  }
0x39: {  	_ = 	snop;
	(pc) =	sbr.ind lr, $3  }
0x3a: {  	_ = 	snop  }
0x3b: {  	_ = 	snop  }
0x3c: {  	p2 =	seq.s32 s10, $0x1;
	s10 =	sld [smem:$0x3FBA]  }
0x3d: {  	_ =	shalt  }
0x3e: {  	_ =	shalt  }
0x3f: {  	_ =	shalt  }
0x40: {  	_ =	shalt  }
0x41: {  	_ =	shalt  }
0x42: {  	_ =	shalt  }
0x43: {  	_ =	shalt  }
0x44: {  	_ =	shalt  }
0x45: {  	_ =	shalt  }
0x46: {  	_ =	shalt  }
0x47: {  	_ =	shalt  }
0x48: {  	_ =	shalt  }
0x49: {  	_ =	shalt  }
0x4a: {  	_ =	shalt  }
0x4b: {  	_ =	shalt  }
0x4c: {  	_ =	shalt  }
0x4d: {  	_ =	shalt  }
0x4e: {  	_ =	shalt  }
0x4f: {  	_ =	shalt  }
0x50: {  	_ =	shalt  }
0x51: {  	_ =	shalt  }
0x52: {  	_ =	shalt  }
0x53: {  	_ =	shalt  }
0x54: {  	_ =	shalt  }
0x55: {  	_ =	shalt  }
0x56: {  	_ =	shalt  }
0x57: {  	_ =	shalt  }
0x58: {  	_ =	shalt  }
0x59: {  	_ =	shalt  }
0x5a: {  	_ =	shalt  }
0x5b: {  	_ =	shalt  }
0x5c: {  	_ =	shalt  }
0x5d: {  	_ =	shalt  }
0x5e: {  	_ =	shalt  }
0x5f: {  	_ =	shalt  }
0x60: {  	_ =	shalt  }
0x61: {  	_ =	shalt  }
0x62: {  	_ =	shalt  }
0x63: {  	_ =	shalt  }
0x64: {  	_ =	shalt  }
0x65: {  	_ =	shalt  }
0x66: {  	_ =	shalt  }
0x67: {  	_ =	shalt  }
0x68: {  	_ =	shalt  }
0x69: {  	_ =	shalt  }
0x6a: {  	_ =	shalt  }
0x6b: {  	_ =	shalt  }
0x6c: {  	_ =	shalt  }
0x6d: {  	_ =	shalt  }
0x6e: {  	_ =	shalt  }
0x6f: {  	_ =	shalt  }
0x70: {  	_ =	shalt  }
0x71: {  	_ =	shalt  }
0x72: {  	_ =	shalt  }
0x73: {  	_ =	shalt  }
0x74: {  	_ =	shalt  }
0x75: {  	_ =	shalt  }
0x76: {  	_ =	shalt  }
0x77: {  	_ =	shalt  }
0x78: {  	_ =	shalt  }
0x79: {  	_ =	shalt  }
0x7a: {  	_ =	shalt  }
0x7b: {  	_ =	shalt  }
0x7c: {  	_ =	shalt  }
0x7d: {  	_ =	shalt  }
0x7e: {  	_ =	shalt  }
0x7f: {  	_ =	shalt  }
0x80: {  	_ =	shalt  }
0x81: {  	_ =	shalt  }
0x82: {  	_ =	shalt  }
0x83: {  	_ =	shalt  }
0x84: {  	_ =	shalt  }
0x85: {  	_ =	shalt  }
0x86: {  	_ =	shalt  }
0x87: {  	_ =	shalt  }
.Lfunc_end0:
.L_simem_size_0:
called_computation_lowered:
.L_overlay_start_0:
0x88: {  	s2 =	sld [smem:$0x3FD9]  }
0x89: {  	s3 =	sld [smem:$0x3FFE];
	_ =	sdelay $0x1  }
0x8a: {  	s1 =	srdreg.scid  }
0x8b: {  	s0 =	sand.u32 $0x1, s1  }
0x8c: {  	s17 =	sshll.u32 s0, $0xA;
	s2 =	sadd.s32 s3, s2  }
0x8d: {  	s2 =	sadd.s32 s2, s17  }
0x8e: {  	[smem:$0x3FC6] =	sst s2  }
0x8f: {  	_ = 	snop  }
0x90: {  	s2 =	sld [smem:$0x3FD0];
	(tm) =	ssettm $0x1  }
0x91: {  	s18 =	sld [smem:$0x3FFB];
	_ =	sdelay $0x3  }
0x92: {  	_ =	strace s18  }
0x93: {  	s3 =	sld [smem:$0x3FFC];
	_ =	sdelay $0x3  }
0x94: {  	_ =	strace s3  }
0x95: {  	s3 =	sld [smem:$0x3FFD];
	_ =	sdelay $0x3  }
0x96: {  	_ =	strace s3  }
0x97: {  	_ =	strace $0x8FFFFFFF  }
0x98: {  	s19 =	sld [smem:$0x3FDB];
	_ =	sdelay $0x1  }
0x99: {  	s4 =	simm.s32 $_scs_section_size  }
0x9a: {  	s5 =	simm.s32 $_size__tile_overlayer_lowered;
	s6 =	simm.s32 $_tile_overlayer_lowered  }
0x9b: {  	s22 =	simm.s32 $0x1BFF;
	s21 =	sshll.u32 s6, $0x1;
	s3 =	sadd.s32 s4, s19  }
0x9c: {  	s7 =	simm.s32 $0x0;
	s20 =	sshll.u32 s5, $0x1;
	s5 =	sadd.s32 s21, s3  }
0x9d: {  	[timem:s7], [sflag:s22] =	dma.local [hbm:s5], s20  }
0x9e: {  	_ =	swait.ge [sflag:s22], s20  }
0x9f: {  	s4 =	ssub.s32 $0x0, s20;
	[sflag:s22] =	ssyncset.done $0x0  }
0xa0: {  	[sflag:s22] =	ssyncadd.s32 s4;
	_ =	sdelay $0x1  }
0xa1: {  	s23 =	simm.s32 $0x1B8B  }
0xa2: {  	_ =	swait.ge [sflag:s23], $0x1  }
0xa3: {  	[sflag:s23] =	ssyncset.done $0x0  }
0xa4: {  	s25 =	simm.s32 $0x1B8E;
	s24 =	sld [smem:$0x3FFE];
	[sflag:s23] =	ssyncadd.s32 $0xFFFFFFFF  }
0xa5: {  	s26 =	simm.s32 $execute0_lowered;
	[smem:$0x3FD2] =	sst s25  }
0xa6: {  	s5 =	sshll.u32 s26, $0x1;
	_ =	strace $0x80000046;
	[dreg:$0x1] =	wrdreg $0xFFFFFFFF  }
0xa7: {  	s28 =	simm.s32 $_size_execute0_lowered;
	s3 =	sadd.s32 s3, s5;
	[dreg:$0x0] =	wrdreg $0x0  }
0xa8: {  	s5 =	sshll.u32 s28, $0x1;
	[dreg:$0x2] =	wrdreg s3  }
0xa9: {  	[dreg:$0x3] =	wrdreg s5  }
0xaa: {  	[dreg:$0x4] =	wrdreg $0xC0  }
0xab: {  	_ =	task [dreg:s7], $0x5FFFF  }
0xac: {  	[dreg:$0x1] =	wrdreg $0xFFFFFFFF  }
0xad: {  	[dreg:$0x0] =	wrdreg $0x60  }
0xae: {  	[dreg:$0x2] =	wrdreg s2  }
0xaf: {  	[dreg:$0x3] =	wrdreg s24  }
0xb0: {  	[dreg:$0x4] =	wrdreg $0x9  }
0xb1: {  	_ =	task.clear_ibuf [dreg:s7], $0x5FFFF;
	_ =	strace $0x90000046  }
0xb2: {  	s29 =	simm.s32 $0x9;
	_ =	strace $0x80000048  }
0xb3: {  	_ =	swait.ge [sflag:s29], $0x1  }
0xb4: {  	[sflag:s29] =	ssyncadd.s32 $0xFFFFFFFF  }
0xb5: {  	_ =	strace $0x90000048  }
0xb6: {  	_ =	sfence  }
0xb7: {  	s30 =	sld [smem:$0x0];
	_ =	sdelay $0x2  }
0xb8: {  	s31 =	sshll.u32 s1, $0xD;
	s1 =	sshrl.u32 s1, $0x2  }
0xb9: {  	s3 =	sand.u32 $0x4000, s31;
	s1 =	sadd.s32 s1, s30  }
0xba: {  	s0 =	sor.u32 s3, s0;
	s1 =	sshll.u32 s1, $0x11  }
0xbb: {  	s0 =	sor.u32 s1, s0  }
0xbc: {  	s0 =	sadd.s32 $0x8F2B, s0  }
0xbd: {  	[sflag:s0] =	ssyncadd.remote.s32 $0x1  }
0xbe: {  	_ =	sfence.sel $0xFFFF  }
0xbf: {  	[dreg:$0x0] =	wrdreg $0xFFFFFFFF;
	(pc) =	sbr.abs _section_cstart, $3  }
0xc0: {  	[dreg:$0x1] =	wrdreg $0xFFFFFFFF  }
0xc1: {  	_ =	task.clear_ibuf [dreg:s7], $0x2FFFF;
	_ =	strace $0x9FFFFFFF  }
0xc2: {  	(tm) =	ssettm $0x7FFFFFFF  }
0xc3: {  	_ =	shalt  }
tec
execute0_lowered:
.L_overlay_start_1:
0x0: {  	(tag) =	ssettag $0x1  }
0x1: {  	s1 =	rddreg [dreg:$0x0]  }
0x2: {  	s9 =	rddreg [dreg:$0x1]  }
0x3: {  	s0 =	rddreg [dreg:$0x2]  }
0x4: {  	s2 =	simm.s32 $0x0;
	s3 =	srdreg.scid;
	s11 =	simm.s32 $0x2  }
0x5: {  	s12 =	simm.s32 $0x186A0;
	s13 =	simm.s32 $0x1A6A0;
	s14 =	simm.s32 $0x1C6A0  }
0x6: {  	s15 =	simm.s32 $0x1;
	s16 =	simm.s32 $0x0;
	s4 =	sand.u32 $0x1, s3  }
0x7: {  	[smem:$0x7FF] =	sst s2;
	s5 =	sadd.s32 $0x400, s9;
	s7 =	ssub.s32 $0x2, s4  }
0x8: {  	s3 =	stileid.u32;
	s6 =	sadd.s32 $0x9EB600, s9;
	s8 =	sshrl.u32 s7, $0x1  }
0x9: {  	s9 =	sadd.s32 $0x9EBA00, s9;
	_ =	strace $0x80000047;
	s10 =	ssub.s32 s7, s8  }
0xa: {  	s7 =	sshll.u32 s3, $0x1;
	s8 =	sadd.s32 $0x400, s1;
	s10 =	smax.u32 s10, $0x1  }
.LBB2_1:
0xb: {  	s17 =	simm.s32 $0x0  }
.LBB2_2:
0xc: {  	s18 =	sshll.u32 s17, $0x5  }
0xd: {  	s18 =	sor.u32 s18, s7  }
0xe: {  	s18 =	sor.u32 s4, s18  }
0xf: {  	s19 =	smul.u32 $0x30D4, s18;
	_ =	sdelay $0x1  }
0x10: {  	s19 =	sadd.s32 s5, s19  }
0x11: {  	[tilespmem:s2], [sflag:$0x2] =	stream.linear.gather [hbm4b:s19+s2], $0x186A0, $0x38;
	[tilespmem:$0x1E6A0] =	vst v63  }
0x12: {  	_ =	swait.ge [sflag:s11], $0x186A0  }
0x13: {  	s19 =	sshll.u32 s17, $0xB;
	[sflag:s11] =	ssyncset.done $0x0  }
0x14: {  	s20 =	sadd.s32 s1, s19;
	[sflag:s11] =	ssyncadd.s32 $0xFFFE7960  }
0x15: {  	[tilespmem:s12], [sflag:$0x2] =	stream.linear.gather [hbm4b:s20+s2], $0x2000, $0x38;
	[tilespmem:$0x1E6A0] =	vst v63  }
0x16: {  	_ =	swait.ge [sflag:s11], $0x2000  }
0x17: {  	p0 =	seq.s32 s17, $0x0;
	[sflag:s11] =	ssyncset.done $0x0  }
0x18: {  	s20 =	simm.s32 @!p0 $0x1;
	[sflag:s11] =	ssyncadd.s32 $0xFFFFE000  }
0x19: {  	_ =	swait.ge @!p0 [sflag:s20], $0x2000  }
0x1a: {  	[sflag:s20] =	ssyncset.done @!p0 $0x0  }
0x1b: {  	[sflag:s20] =	ssyncadd.s32 @!p0 $0xFFFFE000;
	s20 =	simm.s32 $0x0  }
0x1c: {  	v0 =	vld [tilespmem:s20+$0x186A0];
	_ =	sdelay $0x7  }
0x1d: {  	s21 =	simm.s32 $0x10;
	s22 =	simm.s32 $0x80;
	v0 =	vld.idx.msk [tilespmem:v0+s2+$0x0], $0xffff  }
.LBB2_3:
0x1e: {  	p1 =	sne.s32 s22, $0x7FC0;
	v1 =	vld [tilespmem:s21+$0x186A0];
	_ =	sdelay $0x3  }
.Ltmp0:
0x1f: {  	(pc) =	sbr.rel @p1 .LBB2_3-.Ltmp0, $2  }
0x20: {  	[tilespmem:s20+$0x1A6A0] =	vst v0;
	s20 =	smov.u32 s21;
	_ =	sdelay $0x2  }
0x21: {  	s21 =	sshra.s32 s22, $0x2;
	s22 =	sadd.s32 $0x40, s22;
	v0 =	vld.idx.msk [tilespmem:v1+s2+$0x0], $0xffff  }
0x22: {  	v1 =	vld [tilespmem:s21+$0x186A0];
	_ =	sdelay $0x6  }
0x23: {  	[tilespmem:s20+$0x1A6A0] =	vst v0  }
0x24: {  	v0 =	vld.idx.msk [tilespmem:v1+s2+$0x0], $0xffff;
	_ =	sdelay $0x3  }
0x25: {  	s18 =	sshll.u32 s18, $0xB  }
0x26: {  	s31 =	sadd.s32 s6, s18;
	[tilespmem:s21+$0x1A6A0] =	vst v0  }
0x27: {  	[hbm4b:s31+s2] =	stream.linear.scatter [tilespmem:s13], [sflag:$0x1], $0x2000, $0x38;
	[tilespmem:$0x1E6A0] =	vst v63  }
0x28: {  	s19 =	sadd.s32 s19, s8  }
0x29: {  	[tilespmem:s12], [sflag:$0x2] =	stream.linear.gather [hbm4b:s19+s2], $0x2000, $0x38;
	[tilespmem:$0x1E6A0] =	vst v63  }
0x2a: {  	_ =	swait.ge [sflag:s11], $0x2000  }
0x2b: {  	[sflag:s11] =	ssyncset.done $0x0  }
0x2c: {  	s19 =	simm.s32 @!p0 $0x1;
	[sflag:s11] =	ssyncadd.s32 $0xFFFFE000  }
0x2d: {  	_ =	swait.ge @!p0 [sflag:s19], $0x2000  }
0x2e: {  	[sflag:s19] =	ssyncset.done @!p0 $0x0  }
0x2f: {  	[sflag:s19] =	ssyncadd.s32 @!p0 $0xFFFFE000;
	s19 =	simm.s32 $0x0  }
0x30: {  	v0 =	vld [tilespmem:s19+$0x186A0];
	_ =	sdelay $0x7  }
0x31: {  	s20 =	simm.s32 $0x10;
	s21 =	simm.s32 $0x80;
	v0 =	vld.idx.msk [tilespmem:v0+s2+$0x0], $0xffff  }
.LBB2_5:
0x32: {  	p0 =	sne.s32 s21, $0x7FC0;
	v1 =	vld [tilespmem:s20+$0x186A0];
	_ =	sdelay $0x3  }
.Ltmp1:
0x33: {  	(pc) =	sbr.rel @p0 .LBB2_5-.Ltmp1, $2  }
0x34: {  	[tilespmem:s19+$0x1C6A0] =	vst v0;
	s19 =	smov.u32 s20;
	_ =	sdelay $0x2  }
0x35: {  	s20 =	sshra.s32 s21, $0x2;
	s21 =	sadd.s32 $0x40, s21;
	v0 =	vld.idx.msk [tilespmem:v1+s2+$0x0], $0xffff  }
0x36: {  	v1 =	vld [tilespmem:s20+$0x186A0];
	_ =	sdelay $0x6  }
0x37: {  	[tilespmem:s19+$0x1C6A0] =	vst v0  }
0x38: {  	s17 =	sadd.s32 $0x1, s17;
	v0 =	vld.idx.msk [tilespmem:v1+s2+$0x0], $0xffff  }
0x39: {  	p0 =	sne.s32 s17, $0x1A  }
.Ltmp2:
0x3a: {  	_ = 	snop;
	(pc) =	sbr.rel @p0 .LBB2_2-.Ltmp2, $3  }
0x3b: {  	_ =	sdelay $0x1  }
0x3c: {  	s18 =	sadd.s32 s18, s9;
	[tilespmem:s20+$0x1C6A0] =	vst v0  }
0x3d: {  	[hbm4b:s18+s2] =	stream.linear.scatter [tilespmem:s14], [sflag:$0x1], $0x2000, $0x38;
	[tilespmem:$0x1E6A0] =	vst v63  }
0x3e: {  	s16 =	sadd.s32 $0x1, s16  }
0x3f: {  	_ =	swait.ge [sflag:s15], $0x2000;
	p0 =	sne.s32 s16, s10  }
.Ltmp3:
0x40: {  	[sflag:s15] =	ssyncset.done $0x0;
	(pc) =	sbr.rel @p0 .LBB2_1-.Ltmp3, $4  }
0x41: {  	[sflag:s15] =	ssyncadd.s32 $0xFFFFE000  }
0x42: {  	_ =	swait.ge [sflag:s15], $0x2000  }
0x43: {  	[sflag:s15] =	ssyncset.done $0x0  }
0x44: {  	[sflag:s15] =	ssyncadd.s32 $0xFFFFE000  }
0x45: {  	_ =	sfence.sel $0x180000  }
0x46: {  	[bflag:$0x0] =	sbarrier.arrive $0xFFFF  }
0x47: {  	p0 =	sne.s32 s3, $0x0;
	_ =	strace $0x90000047  }
0x48: {  	s0 =	sadd.s32 @!p0 $0x100000, s0;
	[bflag:$0x2] =	sbarrier.arrive $0xFFFF  }
0x49: {  	[sflag:s0] =	ssyncadd.tile.s32 @!p0 $0x1;
	_ =	shalt  }
.Lfunc_end2:
_tile_overlayer_lowered:
.L_overlay_start_2:
0x4a: {  	(tag) =	ssettag $0x2  }
0x4b: {  	s0 =	rddreg [dreg:$0x0];
	s2 =	stileid.u32  }
0x4c: {  	s1 =	rddreg [dreg:$0x1];
	p0 =	sne.s32 s2, $0x0  }
0x4d: {  	s3 =	rddreg [dreg:$0x2];
	[bflag:$0x3] =	sbarrier.arrive $0xFFFF;
	s2 =	simm.s32 @!p0 $0x1C02  }
0x4e: {  	[timem:s3], [sflag:s2] =	dma.local @!p0 [hbm:s0], s1  }
0x4f: {  	s0 =	simm.s32 @!p0 $0x2  }
0x50: {  	_ =	swait.ge @!p0 [sflag:s0], s1  }
0x51: {  	s1 =	ssub.s32 @!p0 $0x0, s1;
	[sflag:s0] =	ssyncset.done @!p0 $0x0  }
0x52: {  	[sflag:s0] =	ssyncadd.s32 @!p0 s1  }
0x53: {  	[bflag:$0x3] =	sbarrier.arrive $0xFFFF  }
0x54: {  	_ =	shalt  }

</sc_bundles>
